<compile_context>
chip_gen: v7x
topology: tpu7x:2x2x1
jax: 0.10.2.dev20260603
libtpu: 0.0.44.dev20260713+nightly
codegen_flags: <defaults>
</compile_context>

<pallas_src>
import functools

import jax
import jax.numpy as jnp
from jax.experimental import pallas as pl
from jax.experimental.pallas import tpu as pltpu

H = 1024
FF = 2048
E = 8
TOP_K = 2
T = 512

KF = 4
FC = FF // KF
R = T * TOP_K
MB = 128
NMB = R // MB
NW = NMB + E - 1

_NEG = -3.0e38


def _router_shared_kernel(x_ref, rw_ref, wg_ref, wu_ref, wd_ref,
                          shared_ref, tw_ref, ti_ref):
    kf = pl.program_id(0)
    x = x_ref[...]

    @pl.when(kf == 0)
    def _router():
        logits = jax.lax.dot_general(
            x, rw_ref[...], (((1,), (1,)), ((), ())),
            preferred_element_type=jnp.float32)
        ii = jax.lax.broadcasted_iota(jnp.int32, (T, E), 1)
        m1 = jnp.max(logits, axis=1, keepdims=True)
        i1 = jnp.min(jnp.where(logits == m1, ii, E), axis=1, keepdims=True)
        l2 = jnp.where(ii == i1, _NEG, logits)
        m2 = jnp.max(l2, axis=1, keepdims=True)
        i2 = jnp.min(jnp.where(l2 == m2, ii, E), axis=1, keepdims=True)
        w1 = jax.nn.sigmoid(m1 - m2)
        w2 = jax.nn.sigmoid(m2 - m1)
        tw_ref[...] = jnp.concatenate([w1, w2], axis=1)
        ti_ref[...] = jnp.concatenate([i1, i2], axis=1)

    gate = jax.lax.dot_general(x, wg_ref[...], (((1,), (1,)), ((), ())),
                               preferred_element_type=jnp.float32)
    up = jax.lax.dot_general(x, wu_ref[...], (((1,), (1,)), ((), ())),
                             preferred_element_type=jnp.float32)
    h = gate * jax.nn.sigmoid(gate) * up
    contrib = jax.lax.dot_general(h, wd_ref[...], (((1,), (1,)), ((), ())),
                                  preferred_element_type=jnp.float32)

    @pl.when(kf == 0)
    def _init():
        shared_ref[...] = contrib

    @pl.when(kf != 0)
    def _acc():
        shared_ref[...] += contrib


def _grouped_kernel(ie_ref, imb_ref, ifirst_ref, ivalid_ref,
                    x_ref, eg_ref, eu_ref, ed_ref, ts_ref, es_ref,
                    ys_ref, xb_ref):
    i = pl.program_id(0)
    kf = pl.program_id(1)

    @pl.when(kf == 0)
    def _gather():
        e_i = ie_ref[i]
        valid = ivalid_ref[i] > 0
        row_t = ts_ref[...]
        row_e = es_ref[...]
        tok = jax.lax.broadcasted_iota(jnp.int32, (MB, T), 1)
        g = (row_t == tok) & (row_e == e_i) & valid
        xb_ref[...] = jnp.dot(g.astype(jnp.float32), x_ref[...],
                              preferred_element_type=jnp.float32)

    xb = xb_ref[...]
    gate = jax.lax.dot_general(xb, eg_ref[0], (((1,), (1,)), ((), ())),
                               preferred_element_type=jnp.float32)
    up = jax.lax.dot_general(xb, eu_ref[0], (((1,), (1,)), ((), ())),
                             preferred_element_type=jnp.float32)
    h = gate * jax.nn.sigmoid(gate) * up
    contrib = jax.lax.dot_general(h, ed_ref[0], (((1,), (1,)), ((), ())),
                                  preferred_element_type=jnp.float32)

    first = (ifirst_ref[i] > 0) & (kf == 0)

    @pl.when(first)
    def _init():
        ys_ref[...] = contrib

    @pl.when(jnp.logical_not(first))
    def _acc():
        ys_ref[...] += contrib


def _combine_kernel(ys_ref, shared_ref, tr_ref, wr_ref, out_ref):
    ti = jax.lax.broadcasted_iota(jnp.int32, (T, R), 0)
    c = jnp.where(tr_ref[...] == ti, wr_ref[...], jnp.float32(0.0))
    out_ref[...] = shared_ref[...] + jnp.dot(
        c, ys_ref[...], preferred_element_type=jnp.float32)


@jax.jit
def kernel(x, router_weight, w_gate, w_up, w_down,
           expert_gate, expert_up, expert_down):
    shared_out, top_w, top_i = pl.pallas_call(
        _router_shared_kernel,
        grid=(KF,),
        in_specs=[
            pl.BlockSpec((T, H), lambda kf: (0, 0)),
            pl.BlockSpec((E, H), lambda kf: (0, 0)),
            pl.BlockSpec((FC, H), lambda kf: (kf, 0)),
            pl.BlockSpec((FC, H), lambda kf: (kf, 0)),
            pl.BlockSpec((H, FC), lambda kf: (0, kf)),
        ],
        out_specs=[
            pl.BlockSpec((T, H), lambda kf: (0, 0)),
            pl.BlockSpec((T, TOP_K), lambda kf: (0, 0)),
            pl.BlockSpec((T, TOP_K), lambda kf: (0, 0)),
        ],
        out_shape=[
            jax.ShapeDtypeStruct((T, H), jnp.float32),
            jax.ShapeDtypeStruct((T, TOP_K), jnp.float32),
            jax.ShapeDtypeStruct((T, TOP_K), jnp.int32),
        ],
    )(x, router_weight, w_gate, w_up, w_down)

    e_flat = top_i.reshape(-1)
    w_flat = top_w.reshape(-1)
    perm = jnp.argsort(e_flat, stable=True).astype(jnp.int32)
    e_sorted = e_flat[perm]
    t_sorted = perm // jnp.int32(TOP_K)
    w_sorted = w_flat[perm]

    mbv = jnp.arange(R, dtype=jnp.int32) // MB
    pair = mbv * E + e_sorted
    firstflag = jnp.concatenate(
        [jnp.ones((1,), jnp.bool_), pair[1:] != pair[:-1]])
    n_items = jnp.sum(firstflag.astype(jnp.int32))
    pos = jnp.nonzero(firstflag, size=NW, fill_value=R - 1)[0].astype(jnp.int32)
    item_e = e_sorted[pos]
    item_mb = pos // MB
    item_first = jnp.concatenate(
        [jnp.ones((1,), jnp.int32),
         (item_mb[1:] != item_mb[:-1]).astype(jnp.int32)])
    item_valid = (jnp.arange(NW, dtype=jnp.int32) < n_items).astype(jnp.int32)

    ys = pl.pallas_call(
        _grouped_kernel,
        grid_spec=pltpu.PrefetchScalarGridSpec(
            num_scalar_prefetch=4,
            grid=(NW, KF),
            in_specs=[
                pl.BlockSpec((T, H), lambda i, kf, ie, imb, ifi, iva: (0, 0)),
                pl.BlockSpec((1, FC, H),
                             lambda i, kf, ie, imb, ifi, iva: (ie[i], kf, 0)),
                pl.BlockSpec((1, FC, H),
                             lambda i, kf, ie, imb, ifi, iva: (ie[i], kf, 0)),
                pl.BlockSpec((1, H, FC),
                             lambda i, kf, ie, imb, ifi, iva: (ie[i], 0, kf)),
                pl.BlockSpec((MB, 1),
                             lambda i, kf, ie, imb, ifi, iva: (imb[i], 0)),
                pl.BlockSpec((MB, 1),
                             lambda i, kf, ie, imb, ifi, iva: (imb[i], 0)),
            ],
            out_specs=pl.BlockSpec(
                (MB, H), lambda i, kf, ie, imb, ifi, iva: (imb[i], 0)),
            scratch_shapes=[pltpu.VMEM((MB, H), jnp.float32)],
        ),
        out_shape=jax.ShapeDtypeStruct((R, H), jnp.float32),
    )(item_e, item_mb, item_first, item_valid,
      x, expert_gate, expert_up, expert_down,
      t_sorted.reshape(R, 1), e_sorted.reshape(R, 1))

    out = pl.pallas_call(
        _combine_kernel,
        in_specs=[
            pl.BlockSpec((R, H), lambda: (0, 0)),
            pl.BlockSpec((T, H), lambda: (0, 0)),
            pl.BlockSpec((1, R), lambda: (0, 0)),
            pl.BlockSpec((1, R), lambda: (0, 0)),
        ],
        out_specs=pl.BlockSpec((T, H), lambda: (0, 0)),
        out_shape=jax.ShapeDtypeStruct((T, H), jnp.float32),
    )(ys, shared_out, t_sorted.reshape(1, R), w_sorted.reshape(1, R))
    return out

# --- scband reference (transcript-rebuilt; emitter-appended) ---
"""Pipeline reference for scband-paged-mo-effn-30992484008193 (READ-ONLY COPY).

The authoritative reference and input builder live on the scoring server;
editing this copy changes nothing except your own understanding.
"""

import jax, jax.numpy as jnp
import numpy as np

H = 1024      # hidden_dim
FF = 2048     # intermediate_dim
E = 8         # n_experts
TOP_K = 2
T = 512       # tokens = batch(64) * q_len(8)

def _swiglu(x, wg, wu, wd):
    # shared SwiGLU expert: down( silu(gate(x)) * up(x) )
    return (jax.nn.silu(x @ wg.T) * (x @ wu.T)) @ wd.T

def setup_inputs(seed: int = 0) -> dict:
    key = jax.random.key(seed)
    ks = jax.random.split(key, 8)
    x = jax.random.normal(ks[0], (T, H), dtype=jnp.float32)
    router_weight = jax.random.normal(ks[1], (E, H), dtype=jnp.float32) * 0.02
    w_gate = jax.random.normal(ks[2], (FF, H), dtype=jnp.float32) * 0.02
    w_up = jax.random.normal(ks[3], (FF, H), dtype=jnp.float32) * 0.02
    w_down = jax.random.normal(ks[4], (H, FF), dtype=jnp.float32) * 0.02
    expert_gate = jax.random.normal(ks[5], (E, FF, H), dtype=jnp.float32) * 0.02
    expert_up = jax.random.normal(ks[6], (E, FF, H), dtype=jnp.float32) * 0.02
    expert_down = jax.random.normal(ks[7], (E, H, FF), dtype=jnp.float32) * 0.02
    return {"x": x, "router_weight": router_weight, "w_gate": w_gate, "w_up": w_up,
            "w_down": w_down, "expert_gate": expert_gate, "expert_up": expert_up,
            "expert_down": expert_down}

def reference(x, router_weight, w_gate, w_up, w_down, expert_gate, expert_up, expert_down):
    # router: logits -> softmax -> top-k -> renormalize
    logits = x @ router_weight.T                              # [T, E]
    probs = jax.nn.softmax(logits, axis=-1)
    top_w, top_i = jax.lax.top_k(probs, TOP_K)                # [T, k]
    top_w = top_w / jnp.sum(top_w, axis=-1, keepdims=True)
    # combine weights [T, E]: zero except selected experts (dropless)
    combine = jnp.sum(jax.nn.one_hot(top_i, E, dtype=x.dtype) * top_w[..., None], axis=1)
    # paged ternary experts (materialized dense here): SwiGLU per expert
    h_gate = jnp.einsum('td,efd->tef', x, expert_gate)        # [T, E, FF]
    h_up = jnp.einsum('td,efd->tef', x, expert_up)
    h = jax.nn.silu(h_gate) * h_up
    expert_out_all = jnp.einsum('tef,edf->ted', h, expert_down)  # [T, E, H]
    expert_out = jnp.einsum('te,ted->td', combine, expert_out_all)
    # shared expert always active
    shared_out = _swiglu(x, w_gate, w_up, w_down)
    return shared_out + expert_out

if __name__ == "__main__":
    import jax
    _d = setup_inputs()
    print(jax.jit(kernel)(*tuple(_d.values())))

</pallas_src>

<mosaic_0001>
module attributes {stable_mosaic.version = 14 : i64} {
  func.func @_router_shared_kernel(%arg0: i32, %arg1: memref<512x1024xf32, #tpu.memory_space<vmem>>, %arg2: memref<8x1024xf32, #tpu.memory_space<vmem>>, %arg3: memref<512x1024xf32, #tpu.memory_space<vmem>>, %arg4: memref<512x1024xf32, #tpu.memory_space<vmem>>, %arg5: memref<1024x512xf32, #tpu.memory_space<vmem>>, %arg6: memref<512x1024xf32, #tpu.memory_space<vmem>>, %arg7: memref<512x2xf32, #tpu.memory_space<vmem>>, %arg8: memref<512x2xi32, #tpu.memory_space<vmem>>) attributes {dimension_semantics = [#tpu.dimension_semantics<arbitrary>], iteration_bounds = array<i64: 4>, scalar_prefetch = 0 : i64, scratch_operands = 0 : i64, tpu.core_type = #tpu.core_type<tc>, window_params = [{pipeline_mode = #tpu.pipeline_mode<synchronous>, transform_indices = @transform_0, window_bounds = array<i64: 512, 1024>}, {pipeline_mode = #tpu.pipeline_mode<synchronous>, transform_indices = @transform_1, window_bounds = array<i64: 8, 1024>}, {transform_indices = @transform_2, window_bounds = array<i64: 512, 1024>}, {transform_indices = @transform_3, window_bounds = array<i64: 512, 1024>}, {transform_indices = @transform_4, window_bounds = array<i64: 1024, 512>}, {pipeline_mode = #tpu.pipeline_mode<synchronous>, transform_indices = @transform_5, window_bounds = array<i64: 512, 1024>}, {pipeline_mode = #tpu.pipeline_mode<synchronous>, transform_indices = @transform_6, window_bounds = array<i64: 512, 2>}, {pipeline_mode = #tpu.pipeline_mode<synchronous>, transform_indices = @transform_7, window_bounds = array<i64: 512, 2>}]} {
    %get3A = arith.constant 0 : index
    %get3A_0 = arith.constant 0 : index
    %get3A_1 = vector.load %arg1[%get3A, %get3A_0] : memref<512x1024xf32, #tpu.memory_space<vmem>>, vector<512x1024xf32>
    %eq3A = arith.constant 0 : i32
    %eq3A_2 = arith.cmpi eq, %arg0, %eq3A : i32
    %convert_element_type3A = arith.extui %eq3A_2 : i1 to i32
    %cond3A = arith.constant 0 : i32
    %cond3A_3 = arith.cmpi ne, %convert_element_type3A, %cond3A : i32
    scf.if %cond3A_3 {
      %get3A_33 = arith.constant 0 : index
      %get3A_34 = arith.constant 0 : index
      %get3A_35 = vector.load %arg2[%get3A_33, %get3A_34] : memref<8x1024xf32, #tpu.memory_space<vmem>>, vector<8x1024xf32>
      %dot_general3A_36 = arith.constant dense<0.000000e+00> : vector<512x8xf32>
      %dot_general3A_37 = tpu.matmul %get3A_1, %get3A_35, %dot_general3A_36 {dimension_numbers = #tpu.dot_dimension_numbers<[1], [1], [0], [0], [0, 0, 1, 0], [], []>, transpose_lhs_hint = false} : vector<512x1024xf32>, vector<8x1024xf32>, vector<512x8xf32> -> vector<512x8xf32>
      %iota3A = tpu.iota {dimensions = array<i32: 1>} : vector<512x8xi32>
      %reduce_max3A = arith.constant dense<0xFF800000> : vector<512xf32>
      %reduce_max3A_38 = vector.multi_reduction <maximumf>, %dot_general3A_37, %reduce_max3A [1] : vector<512x8xf32> to vector<512xf32>
      %broadcast_in_dim3A = vector.shape_cast %reduce_max3A_38 : vector<512xf32> to vector<512x1xf32>
      %eq3A_39 = vector.broadcast %broadcast_in_dim3A : vector<512x1xf32> to vector<512x8xf32>
      %eq3A_40 = arith.cmpf oeq, %dot_general3A_37, %eq3A_39 : vector<512x8xf32>
      %jit3A = arith.constant 8 : i32
      %broadcast_in_dim3A_41 = vector.broadcast %jit3A : i32 to vector<512x8xi32>
      %select_n3A = arith.select %eq3A_40, %iota3A, %broadcast_in_dim3A_41 : vector<512x8xi1>, vector<512x8xi32>
      %reduce_min3A = arith.constant dense<2147483647> : vector<512xi32>
      %reduce_min3A_42 = vector.multi_reduction <minsi>, %select_n3A, %reduce_min3A [1] : vector<512x8xi32> to vector<512xi32>
      %broadcast_in_dim3A_43 = vector.shape_cast %reduce_min3A_42 : vector<512xi32> to vector<512x1xi32>
      %eq3A_44 = vector.broadcast %broadcast_in_dim3A_43 : vector<512x1xi32> to vector<512x8xi32>
      %eq3A_45 = arith.cmpi eq, %iota3A, %eq3A_44 : vector<512x8xi32>
      %jit3A_46 = arith.constant -3.000000e+38 : f32
      %broadcast_in_dim3A_47 = vector.broadcast %jit3A_46 : f32 to vector<512x8xf32>
      %select_n3A_48 = arith.select %eq3A_45, %broadcast_in_dim3A_47, %dot_general3A_37 : vector<512x8xi1>, vector<512x8xf32>
      %reduce_max3A_49 = arith.constant dense<0xFF800000> : vector<512xf32>
      %reduce_max3A_50 = vector.multi_reduction <maximumf>, %select_n3A_48, %reduce_max3A_49 [1] : vector<512x8xf32> to vector<512xf32>
      %broadcast_in_dim3A_51 = vector.shape_cast %reduce_max3A_50 : vector<512xf32> to vector<512x1xf32>
      %eq3A_52 = vector.broadcast %broadcast_in_dim3A_51 : vector<512x1xf32> to vector<512x8xf32>
      %eq3A_53 = arith.cmpf oeq, %select_n3A_48, %eq3A_52 : vector<512x8xf32>
      %jit3A_54 = arith.constant 8 : i32
      %broadcast_in_dim3A_55 = vector.broadcast %jit3A_54 : i32 to vector<512x8xi32>
      %select_n3A_56 = arith.select %eq3A_53, %iota3A, %broadcast_in_dim3A_55 : vector<512x8xi1>, vector<512x8xi32>
      %reduce_min3A_57 = arith.constant dense<2147483647> : vector<512xi32>
      %reduce_min3A_58 = vector.multi_reduction <minsi>, %select_n3A_56, %reduce_min3A_57 [1] : vector<512x8xi32> to vector<512xi32>
      %broadcast_in_dim3A_59 = vector.shape_cast %reduce_min3A_58 : vector<512xi32> to vector<512x1xi32>
      %sub3A = arith.subf %broadcast_in_dim3A, %broadcast_in_dim3A_51 : vector<512x1xf32>
      %logistic3A_60 = arith.negf %sub3A : vector<512x1xf32>
      %logistic3A_61 = math.exp %logistic3A_60 : vector<512x1xf32>
      %logistic3A_62 = arith.constant 1.000000e+00 : f32
      %logistic3A_63 = vector.broadcast %logistic3A_62 : f32 to vector<512x1xf32>
      %logistic3A_64 = arith.addf %logistic3A_63, %logistic3A_61 : vector<512x1xf32>
      %logistic3A_65 = arith.divf %logistic3A_63, %logistic3A_64 : vector<512x1xf32>
      %sub3A_66 = arith.subf %broadcast_in_dim3A_51, %broadcast_in_dim3A : vector<512x1xf32>
      %logistic3A_67 = arith.negf %sub3A_66 : vector<512x1xf32>
      %logistic3A_68 = math.exp %logistic3A_67 : vector<512x1xf32>
      %logistic3A_69 = arith.constant 1.000000e+00 : f32
      %logistic3A_70 = vector.broadcast %logistic3A_69 : f32 to vector<512x1xf32>
      %logistic3A_71 = arith.addf %logistic3A_70, %logistic3A_68 : vector<512x1xf32>
      %logistic3A_72 = arith.divf %logistic3A_70, %logistic3A_71 : vector<512x1xf32>
      %concatenate3A = tpu.concatenate %logistic3A_65, %logistic3A_72 in 1 : vector<512x1xf32>, vector<512x1xf32> -> vector<512x2xf32>
      %swap3A = arith.constant 0 : index
      %swap3A_73 = arith.constant 0 : index
      %swap3A_74 = vector.load %arg7[%swap3A, %swap3A_73] : memref<512x2xf32, #tpu.memory_space<vmem>>, vector<512x2xf32>
      tpu.vector_store %arg7[%swap3A, %swap3A_73], %concatenate3A {strides = array<i32>} : memref<512x2xf32, #tpu.memory_space<vmem>>, vector<512x2xf32>,
      %concatenate3A_75 = tpu.concatenate %broadcast_in_dim3A_43, %broadcast_in_dim3A_59 in 1 : vector<512x1xi32>, vector<512x1xi32> -> vector<512x2xi32>
      %swap3A_76 = arith.constant 0 : index
      %swap3A_77 = arith.constant 0 : index
      %swap3A_78 = vector.load %arg8[%swap3A_76, %swap3A_77] : memref<512x2xi32, #tpu.memory_space<vmem>>, vector<512x2xi32>
      tpu.vector_store %arg8[%swap3A_76, %swap3A_77], %concatenate3A_75 {strides = array<i32>} : memref<512x2xi32, #tpu.memory_space<vmem>>, vector<512x2xi32>,
    } else {
    }
    %get3A_4 = arith.constant 0 : index
    %get3A_5 = arith.constant 0 : index
    %get3A_6 = vector.load %arg3[%get3A_4, %get3A_5] : memref<512x1024xf32, #tpu.memory_space<vmem>>, vector<512x1024xf32>
    %dot_general3A = arith.constant dense<0.000000e+00> : vector<512x512xf32>
    %dot_general3A_7 = tpu.matmul %get3A_1, %get3A_6, %dot_general3A {dimension_numbers = #tpu.dot_dimension_numbers<[1], [1], [0], [0], [0, 0, 1, 0], [], []>, transpose_lhs_hint = false} : vector<512x1024xf32>, vector<512x1024xf32>, vector<512x512xf32> -> vector<512x512xf32>
    %get3A_8 = arith.constant 0 : index
    %get3A_9 = arith.constant 0 : index
    %get3A_10 = vector.load %arg4[%get3A_8, %get3A_9] : memref<512x1024xf32, #tpu.memory_space<vmem>>, vector<512x1024xf32>
    %dot_general3A_11 = arith.constant dense<0.000000e+00> : vector<512x512xf32>
    %dot_general3A_12 = tpu.matmul %get3A_1, %get3A_10, %dot_general3A_11 {dimension_numbers = #tpu.dot_dimension_numbers<[1], [1], [0], [0], [0, 0, 1, 0], [], []>, transpose_lhs_hint = false} : vector<512x1024xf32>, vector<512x1024xf32>, vector<512x512xf32> -> vector<512x512xf32>
    %logistic3A = arith.negf %dot_general3A_7 : vector<512x512xf32>
    %logistic3A_13 = math.exp %logistic3A : vector<512x512xf32>
    %logistic3A_14 = arith.constant 1.000000e+00 : f32
    %logistic3A_15 = vector.broadcast %logistic3A_14 : f32 to vector<512x512xf32>
    %logistic3A_16 = arith.addf %logistic3A_15, %logistic3A_13 : vector<512x512xf32>
    %logistic3A_17 = arith.divf %logistic3A_15, %logistic3A_16 : vector<512x512xf32>
    %mul3A = arith.mulf %dot_general3A_7, %logistic3A_17 : vector<512x512xf32>
    %mul3A_18 = arith.mulf %mul3A, %dot_general3A_12 : vector<512x512xf32>
    %get3A_19 = arith.constant 0 : index
    %get3A_20 = arith.constant 0 : index
    %get3A_21 = vector.load %arg5[%get3A_19, %get3A_20] : memref<1024x512xf32, #tpu.memory_space<vmem>>, vector<1024x512xf32>
    %dot_general3A_22 = arith.constant dense<0.000000e+00> : vector<512x1024xf32>
    %dot_general3A_23 = tpu.matmul %mul3A_18, %get3A_21, %dot_general3A_22 {dimension_numbers = #tpu.dot_dimension_numbers<[1], [1], [0], [0], [0, 0, 1, 0], [], []>, transpose_lhs_hint = false} : vector<512x512xf32>, vector<1024x512xf32>, vector<512x1024xf32> -> vector<512x1024xf32>
    %eq3A_24 = arith.constant 0 : i32
    %eq3A_25 = arith.cmpi eq, %arg0, %eq3A_24 : i32
    %convert_element_type3A_26 = arith.extui %eq3A_25 : i1 to i32
    %cond3A_27 = arith.constant 0 : i32
    %cond3A_28 = arith.cmpi ne, %convert_element_type3A_26, %cond3A_27 : i32
    scf.if %cond3A_28 {
      %swap3A = arith.constant 0 : index
      %swap3A_33 = arith.constant 0 : index
      %swap3A_34 = vector.load %arg6[%swap3A, %swap3A_33] : memref<512x1024xf32, #tpu.memory_space<vmem>>, vector<512x1024xf32>
      tpu.vector_store %arg6[%swap3A, %swap3A_33], %dot_general3A_23 {strides = array<i32>} : memref<512x1024xf32, #tpu.memory_space<vmem>>, vector<512x1024xf32>,
    } else {
    }
    %ne3A = arith.constant 0 : i32
    %ne3A_29 = arith.cmpi ne, %arg0, %ne3A : i32
    %convert_element_type3A_30 = arith.extui %ne3A_29 : i1 to i32
    %cond3A_31 = arith.constant 0 : i32
    %cond3A_32 = arith.cmpi ne, %convert_element_type3A_30, %cond3A_31 : i32
    scf.if %cond3A_32 {
      %get3A_33 = arith.constant 0 : index
      %get3A_34 = arith.constant 0 : index
      %get3A_35 = vector.load %arg6[%get3A_33, %get3A_34] : memref<512x1024xf32, #tpu.memory_space<vmem>>, vector<512x1024xf32>
      %add3A = arith.addf %get3A_35, %dot_general3A_23 : vector<512x1024xf32>
      %swap3A = arith.constant 0 : index
      %swap3A_36 = arith.constant 0 : index
      %swap3A_37 = vector.load %arg6[%swap3A, %swap3A_36] : memref<512x1024xf32, #tpu.memory_space<vmem>>, vector<512x1024xf32>
      tpu.vector_store %arg6[%swap3A, %swap3A_36], %add3A {strides = array<i32>} : memref<512x1024xf32, #tpu.memory_space<vmem>>, vector<512x1024xf32>,
    } else {
    }
    return
  }
  func.func @transform_0(%arg0: i32) -> (i32, i32) {
    %c0_i32 = arith.constant 0 : i32
    %c0_i32_0 = arith.constant 0 : i32
    %c0_i32_1 = arith.constant 0 : i32
    return %c0_i32, %c0_i32_0 : i32, i32
  }
  func.func @transform_1(%arg0: i32) -> (i32, i32) {
    %c0_i32 = arith.constant 0 : i32
    %c0_i32_0 = arith.constant 0 : i32
    %c0_i32_1 = arith.constant 0 : i32
    return %c0_i32, %c0_i32_0 : i32, i32
  }
  func.func @transform_2(%arg0: i32) -> (i32, i32) {
    %c0_i32 = arith.constant 0 : i32
    %c0_i32_0 = arith.constant 0 : i32
    return %arg0, %c0_i32 : i32, i32
  }
  func.func @transform_3(%arg0: i32) -> (i32, i32) {
    %c0_i32 = arith.constant 0 : i32
    %c0_i32_0 = arith.constant 0 : i32
    return %arg0, %c0_i32 : i32, i32
  }
  func.func @transform_4(%arg0: i32) -> (i32, i32) {
    %c0_i32 = arith.constant 0 : i32
    %c0_i32_0 = arith.constant 0 : i32
    return %c0_i32, %arg0 : i32, i32
  }
  func.func @transform_5(%arg0: i32) -> (i32, i32) {
    %c0_i32 = arith.constant 0 : i32
    %c0_i32_0 = arith.constant 0 : i32
    %c0_i32_1 = arith.constant 0 : i32
    return %c0_i32, %c0_i32_0 : i32, i32
  }
  func.func @transform_6(%arg0: i32) -> (i32, i32) {
    %c0_i32 = arith.constant 0 : i32
    %c0_i32_0 = arith.constant 0 : i32
    %c0_i32_1 = arith.constant 0 : i32
    return %c0_i32, %c0_i32_0 : i32, i32
  }
  func.func @transform_7(%arg0: i32) -> (i32, i32) {
    %c0_i32 = arith.constant 0 : i32
    %c0_i32_0 = arith.constant 0 : i32
    %c0_i32_1 = arith.constant 0 : i32
    return %c0_i32, %c0_i32_0 : i32, i32
  }
}

module attributes {stable_mosaic.version = 14 : i64} {
  func.func @_grouped_kernel(%arg0: i32, %arg1: i32, %arg2: memref<15xi32, #tpu.memory_space<smem>>, %arg3: memref<15xi32, #tpu.memory_space<smem>>, %arg4: memref<15xi32, #tpu.memory_space<smem>>, %arg5: memref<15xi32, #tpu.memory_space<smem>>, %arg6: memref<512x1024xf32, #tpu.memory_space<vmem>>, %arg7: memref<1x512x1024xf32, #tpu.memory_space<vmem>>, %arg8: memref<1x512x1024xf32, #tpu.memory_space<vmem>>, %arg9: memref<1x1024x512xf32, #tpu.memory_space<vmem>>, %arg10: memref<128x1xi32, #tpu.memory_space<vmem>>, %arg11: memref<128x1xi32, #tpu.memory_space<vmem>>, %arg12: memref<128x1024xf32, #tpu.memory_space<vmem>>, %arg13: memref<128x1024xf32, #tpu.memory_space<vmem>>) attributes {dimension_semantics = [#tpu.dimension_semantics<arbitrary>, #tpu.dimension_semantics<arbitrary>], iteration_bounds = array<i64: 15, 4>, scalar_prefetch = 4 : i64, scratch_operands = 1 : i64, tpu.core_type = #tpu.core_type<tc>, window_params = [{pipeline_mode = #tpu.pipeline_mode<synchronous>, transform_indices = @transform_0, window_bounds = array<i64: 512, 1024>}, {transform_indices = @transform_1, window_bounds = array<i64: 1, 512, 1024>}, {transform_indices = @transform_2, window_bounds = array<i64: 1, 512, 1024>}, {transform_indices = @transform_3, window_bounds = array<i64: 1, 1024, 512>}, {transform_indices = @transform_4, window_bounds = array<i64: 128, 1>}, {transform_indices = @transform_5, window_bounds = array<i64: 128, 1>}, {transform_indices = @transform_6, window_bounds = array<i64: 128, 1024>}]} {
    %eq3A = arith.constant 0 : i32
    %eq3A_0 = arith.cmpi eq, %arg1, %eq3A : i32
    %convert_element_type3A = arith.extui %eq3A_0 : i1 to i32
    %cond3A = arith.constant 0 : i32
    %cond3A_1 = arith.cmpi ne, %convert_element_type3A, %cond3A : i32
    scf.if %cond3A_1 {
      %get3A_42 = arith.index_cast %arg0 : i32 to index
      %get3A_43 = memref.load %arg2[%get3A_42] : memref<15xi32, #tpu.memory_space<smem>>
      %get3A_44 = arith.index_cast %arg0 : i32 to index
      %get3A_45 = memref.load %arg5[%get3A_44] : memref<15xi32, #tpu.memory_space<smem>>
      %gt3A_46 = arith.constant 0 : i32
      %gt3A_47 = arith.cmpi sgt, %get3A_45, %gt3A_46 : i32
      %get3A_48 = arith.constant 0 : index
      %get3A_49 = arith.constant 0 : index
      %get3A_50 = vector.load %arg10[%get3A_48, %get3A_49] : memref<128x1xi32, #tpu.memory_space<vmem>>, vector<128x1xi32>
      %get3A_51 = arith.constant 0 : index
      %get3A_52 = arith.constant 0 : index
      %get3A_53 = vector.load %arg11[%get3A_51, %get3A_52] : memref<128x1xi32, #tpu.memory_space<vmem>>, vector<128x1xi32>
      %iota3A = tpu.iota {dimensions = array<i32: 1>} : vector<128x512xi32>
      %eq3A_54 = vector.broadcast %get3A_50 : vector<128x1xi32> to vector<128x512xi32>
      %eq3A_55 = arith.cmpi eq, %eq3A_54, %iota3A : vector<128x512xi32>
      %eq3A_56 = vector.broadcast %get3A_43 : i32 to vector<128x1xi32>
      %eq3A_57 = arith.cmpi eq, %get3A_53, %eq3A_56 : vector<128x1xi32>
      %and3A_58 = vector.broadcast %eq3A_57 : vector<128x1xi1> to vector<128x512xi1>
      %and3A_59 = arith.andi %eq3A_55, %and3A_58 : vector<128x512xi1>
      %and3A_60 = vector.broadcast %gt3A_47 : i1 to vector<128x512xi1>
      %and3A_61 = arith.andi %and3A_59, %and3A_60 : vector<128x512xi1>
      %convert_element_type3A_62 = arith.extui %and3A_61 : vector<128x512xi1> to vector<128x512xi32>
      %convert_element_type3A_63 = arith.sitofp %convert_element_type3A_62 : vector<128x512xi32> to vector<128x512xf32>
      %get3A_64 = arith.constant 0 : index
      %get3A_65 = arith.constant 0 : index
      %get3A_66 = vector.load %arg6[%get3A_64, %get3A_65] : memref<512x1024xf32, #tpu.memory_space<vmem>>, vector<512x1024xf32>
      %dot_general3A_67 = arith.constant dense<0.000000e+00> : vector<128x1024xf32>
      %dot_general3A_68 = tpu.matmul %convert_element_type3A_63, %get3A_66, %dot_general3A_67 {dimension_numbers = #tpu.dot_dimension_numbers<[1], [0], [0], [1], [0, 0, 1, 1], [], []>, transpose_lhs_hint = false} : vector<128x512xf32>, vector<512x1024xf32>, vector<128x1024xf32> -> vector<128x1024xf32>
      %swap3A = arith.constant 0 : index
      %swap3A_69 = arith.constant 0 : index
      %swap3A_70 = vector.load %arg13[%swap3A, %swap3A_69] : memref<128x1024xf32, #tpu.memory_space<vmem>>, vector<128x1024xf32>
      tpu.vector_store %arg13[%swap3A, %swap3A_69], %dot_general3A_68 {strides = array<i32>} : memref<128x1024xf32, #tpu.memory_space<vmem>>, vector<128x1024xf32>,
    } else {
    }
    %get3A = arith.constant 0 : index
    %get3A_2 = arith.constant 0 : index
    %get3A_3 = vector.load %arg13[%get3A, %get3A_2] : memref<128x1024xf32, #tpu.memory_space<vmem>>, vector<128x1024xf32>
    %get3A_4 = arith.constant 0 : index
    %get3A_5 = arith.constant 0 : index
    %get3A_6 = arith.constant 0 : index
    %get3A_7 = vector.load %arg7[%get3A_4, %get3A_5, %get3A_6] : memref<1x512x1024xf32, #tpu.memory_space<vmem>>, vector<1x512x1024xf32>
    %get3A_8 = vector.shape_cast %get3A_7 : vector<1x512x1024xf32> to vector<512x1024xf32>
    %dot_general3A = arith.constant dense<0.000000e+00> : vector<128x512xf32>
    %dot_general3A_9 = tpu.matmul %get3A_3, %get3A_8, %dot_general3A {dimension_numbers = #tpu.dot_dimension_numbers<[1], [1], [0], [0], [0, 0, 1, 0], [], []>, transpose_lhs_hint = false} : vector<128x1024xf32>, vector<512x1024xf32>, vector<128x512xf32> -> vector<128x512xf32>
    %get3A_10 = arith.constant 0 : index
    %get3A_11 = arith.constant 0 : index
    %get3A_12 = arith.constant 0 : index
    %get3A_13 = vector.load %arg8[%get3A_10, %get3A_11, %get3A_12] : memref<1x512x1024xf32, #tpu.memory_space<vmem>>, vector<1x512x1024xf32>
    %get3A_14 = vector.shape_cast %get3A_13 : vector<1x512x1024xf32> to vector<512x1024xf32>
    %dot_general3A_15 = arith.constant dense<0.000000e+00> : vector<128x512xf32>
    %dot_general3A_16 = tpu.matmul %get3A_3, %get3A_14, %dot_general3A_15 {dimension_numbers = #tpu.dot_dimension_numbers<[1], [1], [0], [0], [0, 0, 1, 0], [], []>, transpose_lhs_hint = false} : vector<128x1024xf32>, vector<512x1024xf32>, vector<128x512xf32> -> vector<128x512xf32>
    %logistic3A = arith.negf %dot_general3A_9 : vector<128x512xf32>
    %logistic3A_17 = math.exp %logistic3A : vector<128x512xf32>
    %logistic3A_18 = arith.constant 1.000000e+00 : f32
    %logistic3A_19 = vector.broadcast %logistic3A_18 : f32 to vector<128x512xf32>
    %logistic3A_20 = arith.addf %logistic3A_19, %logistic3A_17 : vector<128x512xf32>
    %logistic3A_21 = arith.divf %logistic3A_19, %logistic3A_20 : vector<128x512xf32>
    %mul3A = arith.mulf %dot_general3A_9, %logistic3A_21 : vector<128x512xf32>
    %mul3A_22 = arith.mulf %mul3A, %dot_general3A_16 : vector<128x512xf32>
    %get3A_23 = arith.constant 0 : index
    %get3A_24 = arith.constant 0 : index
    %get3A_25 = arith.constant 0 : index
    %get3A_26 = vector.load %arg9[%get3A_23, %get3A_24, %get3A_25] : memref<1x1024x512xf32, #tpu.memory_space<vmem>>, vector<1x1024x512xf32>
    %get3A_27 = vector.shape_cast %get3A_26 : vector<1x1024x512xf32> to vector<1024x512xf32>
    %dot_general3A_28 = arith.constant dense<0.000000e+00> : vector<128x1024xf32>
    %dot_general3A_29 = tpu.matmul %mul3A_22, %get3A_27, %dot_general3A_28 {dimension_numbers = #tpu.dot_dimension_numbers<[1], [1], [0], [0], [0, 0, 1, 0], [], []>, transpose_lhs_hint = false} : vector<128x512xf32>, vector<1024x512xf32>, vector<128x1024xf32> -> vector<128x1024xf32>
    %get3A_30 = arith.index_cast %arg0 : i32 to index
    %get3A_31 = memref.load %arg4[%get3A_30] : memref<15xi32, #tpu.memory_space<smem>>
    %gt3A = arith.constant 0 : i32
    %gt3A_32 = arith.cmpi sgt, %get3A_31, %gt3A : i32
    %eq3A_33 = arith.constant 0 : i32
    %eq3A_34 = arith.cmpi eq, %arg1, %eq3A_33 : i32
    %and3A = arith.andi %gt3A_32, %eq3A_34 : i1
    %convert_element_type3A_35 = arith.extui %and3A : i1 to i32
    %cond3A_36 = arith.constant 0 : i32
    %cond3A_37 = arith.cmpi ne, %convert_element_type3A_35, %cond3A_36 : i32
    scf.if %cond3A_37 {
      %swap3A = arith.constant 0 : index
      %swap3A_42 = arith.constant 0 : index
      %swap3A_43 = vector.load %arg12[%swap3A, %swap3A_42] : memref<128x1024xf32, #tpu.memory_space<vmem>>, vector<128x1024xf32>
      tpu.vector_store %arg12[%swap3A, %swap3A_42], %dot_general3A_29 {strides = array<i32>} : memref<128x1024xf32, #tpu.memory_space<vmem>>, vector<128x1024xf32>,
    } else {
    }
    %not3A = arith.constant true
    %not3A_38 = arith.xori %and3A, %not3A : i1
    %convert_element_type3A_39 = arith.extui %not3A_38 : i1 to i32
    %cond3A_40 = arith.constant 0 : i32
    %cond3A_41 = arith.cmpi ne, %convert_element_type3A_39, %cond3A_40 : i32
    scf.if %cond3A_41 {
      %get3A_42 = arith.constant 0 : index
      %get3A_43 = arith.constant 0 : index
      %get3A_44 = vector.load %arg12[%get3A_42, %get3A_43] : memref<128x1024xf32, #tpu.memory_space<vmem>>, vector<128x1024xf32>
      %add3A = arith.addf %get3A_44, %dot_general3A_29 : vector<128x1024xf32>
      %swap3A = arith.constant 0 : index
      %swap3A_45 = arith.constant 0 : index
      %swap3A_46 = vector.load %arg12[%swap3A, %swap3A_45] : memref<128x1024xf32, #tpu.memory_space<vmem>>, vector<128x1024xf32>
      tpu.vector_store %arg12[%swap3A, %swap3A_45], %add3A {strides = array<i32>} : memref<128x1024xf32, #tpu.memory_space<vmem>>, vector<128x1024xf32>,
    } else {
    }
    return
  }
  func.func @transform_0(%arg0: i32, %arg1: i32, %arg2: memref<15xi32, #tpu.memory_space<smem>>, %arg3: memref<15xi32, #tpu.memory_space<smem>>, %arg4: memref<15xi32, #tpu.memory_space<smem>>, %arg5: memref<15xi32, #tpu.memory_space<smem>>) -> (i32, i32) {
    %c0_i32 = arith.constant 0 : i32
    %c0_i32_0 = arith.constant 0 : i32
    %c0_i32_1 = arith.constant 0 : i32
    return %c0_i32, %c0_i32_0 : i32, i32
  }
  func.func @transform_1(%arg0: i32, %arg1: i32, %arg2: memref<15xi32, #tpu.memory_space<smem>>, %arg3: memref<15xi32, #tpu.memory_space<smem>>, %arg4: memref<15xi32, #tpu.memory_space<smem>>, %arg5: memref<15xi32, #tpu.memory_space<smem>>) -> (i32, i32, i32) {
    %get3A = arith.index_cast %arg0 : i32 to index
    %get3A_0 = memref.load %arg2[%get3A] : memref<15xi32, #tpu.memory_space<smem>>
    %c0_i32 = arith.constant 0 : i32
    %c0_i32_1 = arith.constant 0 : i32
    return %get3A_0, %arg1, %c0_i32 : i32, i32, i32
  }
  func.func @transform_2(%arg0: i32, %arg1: i32, %arg2: memref<15xi32, #tpu.memory_space<smem>>, %arg3: memref<15xi32, #tpu.memory_space<smem>>, %arg4: memref<15xi32, #tpu.memory_space<smem>>, %arg5: memref<15xi32, #tpu.memory_space<smem>>) -> (i32, i32, i32) {
    %get3A = arith.index_cast %arg0 : i32 to index
    %get3A_0 = memref.load %arg2[%get3A] : memref<15xi32, #tpu.memory_space<smem>>
    %c0_i32 = arith.constant 0 : i32
    %c0_i32_1 = arith.constant 0 : i32
    return %get3A_0, %arg1, %c0_i32 : i32, i32, i32
  }
  func.func @transform_3(%arg0: i32, %arg1: i32, %arg2: memref<15xi32, #tpu.memory_space<smem>>, %arg3: memref<15xi32, #tpu.memory_space<smem>>, %arg4: memref<15xi32, #tpu.memory_space<smem>>, %arg5: memref<15xi32, #tpu.memory_space<smem>>) -> (i32, i32, i32) {
    %get3A = arith.index_cast %arg0 : i32 to index
    %get3A_0 = memref.load %arg2[%get3A] : memref<15xi32, #tpu.memory_space<smem>>
    %c0_i32 = arith.constant 0 : i32
    %c0_i32_1 = arith.constant 0 : i32
    return %get3A_0, %c0_i32, %arg1 : i32, i32, i32
  }
  func.func @transform_4(%arg0: i32, %arg1: i32, %arg2: memref<15xi32, #tpu.memory_space<smem>>, %arg3: memref<15xi32, #tpu.memory_space<smem>>, %arg4: memref<15xi32, #tpu.memory_space<smem>>, %arg5: memref<15xi32, #tpu.memory_space<smem>>) -> (i32, i32) {
    %get3A = arith.index_cast %arg0 : i32 to index
    %get3A_0 = memref.load %arg3[%get3A] : memref<15xi32, #tpu.memory_space<smem>>
    %c0_i32 = arith.constant 0 : i32
    %c0_i32_1 = arith.constant 0 : i32
    return %get3A_0, %c0_i32 : i32, i32
  }
  func.func @transform_5(%arg0: i32, %arg1: i32, %arg2: memref<15xi32, #tpu.memory_space<smem>>, %arg3: memref<15xi32, #tpu.memory_space<smem>>, %arg4: memref<15xi32, #tpu.memory_space<smem>>, %arg5: memref<15xi32, #tpu.memory_space<smem>>) -> (i32, i32) {
    %get3A = arith.index_cast %arg0 : i32 to index
    %get3A_0 = memref.load %arg3[%get3A] : memref<15xi32, #tpu.memory_space<smem>>
    %c0_i32 = arith.constant 0 : i32
    %c0_i32_1 = arith.constant 0 : i32
    return %get3A_0, %c0_i32 : i32, i32
  }
  func.func @transform_6(%arg0: i32, %arg1: i32, %arg2: memref<15xi32, #tpu.memory_space<smem>>, %arg3: memref<15xi32, #tpu.memory_space<smem>>, %arg4: memref<15xi32, #tpu.memory_space<smem>>, %arg5: memref<15xi32, #tpu.memory_space<smem>>) -> (i32, i32) {
    %get3A = arith.index_cast %arg0 : i32 to index
    %get3A_0 = memref.load %arg3[%get3A] : memref<15xi32, #tpu.memory_space<smem>>
    %c0_i32 = arith.constant 0 : i32
    %c0_i32_1 = arith.constant 0 : i32
    return %get3A_0, %c0_i32 : i32, i32
  }
}

module attributes {stable_mosaic.version = 14 : i64} {
  func.func @_combine_kernel(%arg0: memref<1024x1024xf32, #tpu.memory_space<vmem>>, %arg1: memref<512x1024xf32, #tpu.memory_space<vmem>>, %arg2: memref<1x1024xi32, #tpu.memory_space<vmem>>, %arg3: memref<1x1024xf32, #tpu.memory_space<vmem>>, %arg4: memref<512x1024xf32, #tpu.memory_space<vmem>>) attributes {dimension_semantics = [], scalar_prefetch = 0 : i64, scratch_operands = 0 : i64, tpu.core_type = #tpu.core_type<tc>} {
    %iota3A = tpu.iota {dimensions = array<i32: 0>} : vector<512x1024xi32>
    %get3A = arith.constant 0 : index
    %get3A_0 = arith.constant 0 : index
    %get3A_1 = vector.load %arg2[%get3A, %get3A_0] : memref<1x1024xi32, #tpu.memory_space<vmem>>, vector<1x1024xi32>
    %eq3A = vector.broadcast %get3A_1 : vector<1x1024xi32> to vector<512x1024xi32>
    %eq3A_2 = arith.cmpi eq, %eq3A, %iota3A : vector<512x1024xi32>
    %get3A_3 = arith.constant 0 : index
    %get3A_4 = arith.constant 0 : index
    %get3A_5 = vector.load %arg3[%get3A_3, %get3A_4] : memref<1x1024xf32, #tpu.memory_space<vmem>>, vector<1x1024xf32>
    %jit3A = arith.constant 0.000000e+00 : f32
    %broadcast_in_dim3A = vector.shape_cast %get3A_5 : vector<1x1024xf32> to vector<1x1024xf32>
    %broadcast_in_dim3A_6 = vector.broadcast %broadcast_in_dim3A : vector<1x1024xf32> to vector<512x1024xf32>
    %broadcast_in_dim3A_7 = vector.broadcast %jit3A : f32 to vector<512x1024xf32>
    %select_n3A = arith.select %eq3A_2, %broadcast_in_dim3A_6, %broadcast_in_dim3A_7 : vector<512x1024xi1>, vector<512x1024xf32>
    %get3A_8 = arith.constant 0 : index
    %get3A_9 = arith.constant 0 : index
    %get3A_10 = vector.load %arg1[%get3A_8, %get3A_9] : memref<512x1024xf32, #tpu.memory_space<vmem>>, vector<512x1024xf32>
    %get3A_11 = arith.constant 0 : index
    %get3A_12 = arith.constant 0 : index
    %get3A_13 = vector.load %arg0[%get3A_11, %get3A_12] : memref<1024x1024xf32, #tpu.memory_space<vmem>>, vector<1024x1024xf32>
    %dot_general3A = arith.constant dense<0.000000e+00> : vector<512x1024xf32>
    %dot_general3A_14 = tpu.matmul %select_n3A, %get3A_13, %dot_general3A {dimension_numbers = #tpu.dot_dimension_numbers<[1], [0], [0], [1], [0, 0, 1, 1], [], []>, transpose_lhs_hint = false} : vector<512x1024xf32>, vector<1024x1024xf32>, vector<512x1024xf32> -> vector<512x1024xf32>
    %add3A = arith.addf %get3A_10, %dot_general3A_14 : vector<512x1024xf32>
    %swap3A = arith.constant 0 : index
    %swap3A_15 = arith.constant 0 : index
    %swap3A_16 = vector.load %arg4[%swap3A, %swap3A_15] : memref<512x1024xf32, #tpu.memory_space<vmem>>, vector<512x1024xf32>
    tpu.vector_store %arg4[%swap3A, %swap3A_15], %add3A {strides = array<i32>} : memref<512x1024xf32, #tpu.memory_space<vmem>>, vector<512x1024xf32>,
    return
  }
}

</mosaic_0001>

<sc_bundles>
// kernel: scatter_offload_async_start
scs
__scs_entry_jumppad:
0x0: {  	(pc) =	sbr.rel $0x88, $3  }
0x1: {  	(tag) =	ssettag $0x0;
	lr =	simm.s32 $0x1  }
0x2: {  	[smem:$0x3F99] =	sst lr;
	_ =	strace $0xD0000000  }
0x3: {  	_ = 	snop  }
0x4: {  	_ = 	snop  }
0x5: {  	_ = 	snop  }
0x6: {  	_ = 	snop  }
0x7: {  	_ = 	snop  }
__scs_overlays_trampoline_lowered:
0x8: {  	[smem:$0x3FA8] =	sst s0  }
0x9: {  	[smem:$0x3FA9] =	sst s1  }
0xa: {  	[smem:$0x3FAA] =	sst s2  }
0xb: {  	[smem:$0x3FAB] =	sst s3  }
0xc: {  	[smem:$0x3FAC] =	sst s4  }
0xd: {  	[smem:$0x3FAD] =	sst s5  }
0xe: {  	[smem:$0x3FAE] =	sst s6  }
0xf: {  	[smem:$0x3FAF] =	sst s7  }
0x10: {  	[smem:$0x3FB0] =	sst s8  }
0x11: {  	[smem:$0x3FB1] =	sst s9;
	s0 =	simm.s32 @!p0 $0x0  }
0x12: {  	s1 =	sld [smem:$0x3F97];
	s0 =	simm.s32 @p0 $0x1  }
0x13: {  	[smem:$0x3FB2] =	sst s0;
	s0 =	simm.s32 @!p1 $0x0  }
0x14: {  	s2 =	sld [smem:$0x3F96];
	s0 =	simm.s32 @p1 $0x1  }
0x15: {  	[smem:$0x3FB3] =	sst s0;
	s0 =	simm.s32 @!p2 $0x0  }
0x16: {  	s3 =	sld [smem:$0x3FDB];
	s0 =	simm.s32 @p2 $0x1  }
0x17: {  	s4 =	simm.s32 $0x1BF5;
	[smem:$0x3FB5] =	sst s0  }
0x18: {  	s0 =	sld [smem:$0x3F98];
	_ =	swait.ge [sflag:s4], $0x0  }
0x19: {  	s7 =	sld [smem:$0x3F99]  }
0x1a: {  	s8 =	sadd.s32 $0xFFFFE003, lr  }
0x1b: {  	s9 =	sadd.s32 $0xFFFFFEF7, lr;
	s5 =	simm.s32 $0xFFFFFFFF;
	p2 =	slt.u32 s8, $0xFFFFF086  }
0x1c: {  	p1 =	slt.u32 s9, $0xF7A;
	s5 =	simm.s32 @!p2 $0x0  }
0x1d: {  	s5 =	simm.s32 @p1 $0x1;
	p0 =	seq.s32 s7, s2  }
0x1e: {  	s7 =	smul.u32 @!p0 $0xF7A, s2;
	p2 =	seq.s32 @!p0 s5, $0x0  }
0x1f: {  	s9 =	smul.u32 $0xF7A, s1;
	s8 =	simm.s32 @!p0 $0x1BF5;
	p2 =	por !p2, p0  }
0x20: {  	[sflag:s8] =	ssyncset.s32 @!p0 $0xFFFFF086;
	s6 =	sadd.s32 @!p0 s3, s7;
	s7 =	simm.s32 @!p0 $0x108  }
0x21: {  	s3 =	sadd.s32 s3, s9;
	s6 =	sadd.s32 @!p0 $0x88, s6;
	s7 =	simm.s32 @p2 $0x1082  }
0x22: {  	[simem:s7], [sflag:s8] =	dma.local @!p0 [hbm:s6], $0xF7A  }
0x23: {  	s9 =	sor.u32 $0xD0000000, s2;
	s6 =	simm.s32 $0x108;
	_ =	swait.ge @!p0 [sflag:s8], $0x0  }
0x24: {  	s3 =	sadd.s32 $0x88, s3;
	s6 =	simm.s32 @!p1 $0x1082;
	[sflag:s4] =	ssyncset.s32 $0xFFFFF086  }
0x25: {  	[simem:s6], [sflag:s4] =	dma.local [hbm:s3], $0xF7A  }
0x26: {  	[smem:$0x3F99] =	sst s1;
	(tag) =	ssettag s2;
	_ =	strace s9  }
0x27: {  	s1 =	sld [smem:$0x3FA9]  }
0x28: {  	s2 =	sld [smem:$0x3FAA]  }
0x29: {  	s4 =	sld [smem:$0x3FAC]  }
0x2a: {  	p0 =	seq.s32 s5, $0x0;
	s5 =	sld [smem:$0x3FAD]  }
0x2b: {  	s6 =	sld [smem:$0x3FAE]  }
0x2c: {  	s7 =	sld [smem:$0x3FAF]  }
0x2d: {  	s3 =	simm.s32 $0x108;
	s8 =	sld [smem:$0x3FB0]  }
0x2e: {  	s3 =	simm.s32 @!p0 $0x1082;
	s9 =	sld [smem:$0x3FB1]  }
0x2f: {  	lr =	sadd.s32 s0, s3;
	s0 =	sld [smem:$0x3FA8]  }
0x30: {  	s3 =	sld [smem:$0x3FAB]  }
0x31: {  	[smem:$0x3FB4] =	sst s10  }
0x32: {  	s10 =	sld [smem:$0x3FB2];
	_ =	sdelay $0x3  }
0x33: {  	p0 =	seq.s32 s10, $0x1;
	s10 =	sld [smem:$0x3FB4];
	_ =	sdelay $0x3  }
0x34: {  	[smem:$0x3FB4] =	sst s10  }
0x35: {  	s10 =	sld [smem:$0x3FB3];
	_ =	sdelay $0x3  }
0x36: {  	p1 =	seq.s32 s10, $0x1;
	s10 =	sld [smem:$0x3FB4];
	_ =	sdelay $0x3  }
0x37: {  	[smem:$0x3FB4] =	sst s10  }
0x38: {  	s10 =	sld [smem:$0x3FB5]  }
0x39: {  	_ = 	snop;
	(pc) =	sbr.ind lr, $3  }
0x3a: {  	_ = 	snop  }
0x3b: {  	_ = 	snop  }
0x3c: {  	p2 =	seq.s32 s10, $0x1;
	s10 =	sld [smem:$0x3FB4]  }
0x3d: {  	_ =	shalt  }
0x3e: {  	_ =	shalt  }
0x3f: {  	_ =	shalt  }
0x40: {  	_ =	shalt  }
0x41: {  	_ =	shalt  }
0x42: {  	_ =	shalt  }
0x43: {  	_ =	shalt  }
0x44: {  	_ =	shalt  }
0x45: {  	_ =	shalt  }
0x46: {  	_ =	shalt  }
0x47: {  	_ =	shalt  }
0x48: {  	_ =	shalt  }
0x49: {  	_ =	shalt  }
0x4a: {  	_ =	shalt  }
0x4b: {  	_ =	shalt  }
0x4c: {  	_ =	shalt  }
0x4d: {  	_ =	shalt  }
0x4e: {  	_ =	shalt  }
0x4f: {  	_ =	shalt  }
0x50: {  	_ =	shalt  }
0x51: {  	_ =	shalt  }
0x52: {  	_ =	shalt  }
0x53: {  	_ =	shalt  }
0x54: {  	_ =	shalt  }
0x55: {  	_ =	shalt  }
0x56: {  	_ =	shalt  }
0x57: {  	_ =	shalt  }
0x58: {  	_ =	shalt  }
0x59: {  	_ =	shalt  }
0x5a: {  	_ =	shalt  }
0x5b: {  	_ =	shalt  }
0x5c: {  	_ =	shalt  }
0x5d: {  	_ =	shalt  }
0x5e: {  	_ =	shalt  }
0x5f: {  	_ =	shalt  }
0x60: {  	_ =	shalt  }
0x61: {  	_ =	shalt  }
0x62: {  	_ =	shalt  }
0x63: {  	_ =	shalt  }
0x64: {  	_ =	shalt  }
0x65: {  	_ =	shalt  }
0x66: {  	_ =	shalt  }
0x67: {  	_ =	shalt  }
0x68: {  	_ =	shalt  }
0x69: {  	_ =	shalt  }
0x6a: {  	_ =	shalt  }
0x6b: {  	_ =	shalt  }
0x6c: {  	_ =	shalt  }
0x6d: {  	_ =	shalt  }
0x6e: {  	_ =	shalt  }
0x6f: {  	_ =	shalt  }
0x70: {  	_ =	shalt  }
0x71: {  	_ =	shalt  }
0x72: {  	_ =	shalt  }
0x73: {  	_ =	shalt  }
0x74: {  	_ =	shalt  }
0x75: {  	_ =	shalt  }
0x76: {  	_ =	shalt  }
0x77: {  	_ =	shalt  }
0x78: {  	_ =	shalt  }
0x79: {  	_ =	shalt  }
0x7a: {  	_ =	shalt  }
0x7b: {  	_ =	shalt  }
0x7c: {  	_ =	shalt  }
0x7d: {  	_ =	shalt  }
0x7e: {  	_ =	shalt  }
0x7f: {  	_ =	shalt  }
0x80: {  	_ =	shalt  }
0x81: {  	_ =	shalt  }
0x82: {  	_ =	shalt  }
0x83: {  	_ =	shalt  }
0x84: {  	_ =	shalt  }
0x85: {  	_ =	shalt  }
0x86: {  	_ =	shalt  }
0x87: {  	_ =	shalt  }
.Lfunc_end0:
.L_simem_size_0:
called_computation_lowered:
.L_overlay_start_0:
0x88: {  	s0 =	sld [smem:$0x3FD9]  }
0x89: {  	s1 =	sld [smem:$0x3FFE];
	_ =	sdelay $0x3  }
0x8a: {  	s0 =	sadd.s32 s1, s0  }
0x8b: {  	[smem:$0x3FC0] =	sst s0  }
0x8c: {  	_ = 	snop  }
0x8d: {  	s0 =	sld [smem:$0x3FD0];
	(tm) =	ssettm $0x1  }
0x8e: {  	s16 =	sld [smem:$0x3FFB];
	_ =	sdelay $0x3  }
0x8f: {  	_ =	strace s16  }
0x90: {  	s1 =	sld [smem:$0x3FFC];
	_ =	sdelay $0x3  }
0x91: {  	_ =	strace s1  }
0x92: {  	s1 =	sld [smem:$0x3FFD];
	_ =	sdelay $0x3  }
0x93: {  	_ =	strace s1  }
0x94: {  	_ =	strace $0x8FFFFFFF  }
0x95: {  	s17 =	sld [smem:$0x3FDB];
	_ =	sdelay $0x1  }
0x96: {  	s2 =	simm.s32 $_scs_section_size  }
0x97: {  	s3 =	simm.s32 $_size__tile_overlayer_lowered;
	s4 =	simm.s32 $_tile_overlayer_lowered  }
0x98: {  	s20 =	simm.s32 $0x1BFF;
	s19 =	sshll.u32 s4, $0x1;
	s1 =	sadd.s32 s2, s17  }
0x99: {  	s5 =	simm.s32 $0x0;
	s18 =	sshll.u32 s3, $0x1;
	s3 =	sadd.s32 s19, s1  }
0x9a: {  	[timem:s5], [sflag:s20] =	dma.local [hbm:s3], s18  }
0x9b: {  	_ =	swait.ge [sflag:s20], s18  }
0x9c: {  	s2 =	ssub.s32 $0x0, s18;
	[sflag:s20] =	ssyncset.done $0x0  }
0x9d: {  	[sflag:s20] =	ssyncadd.s32 s2;
	_ =	sdelay $0x1  }
0x9e: {  	s21 =	simm.s32 $0x1B8B  }
0x9f: {  	_ =	swait.ge [sflag:s21], $0x1  }
0xa0: {  	[sflag:s21] =	ssyncset.done $0x0  }
0xa1: {  	s23 =	simm.s32 $0x1B8E;
	s22 =	sld [smem:$0x3FFE];
	[sflag:s21] =	ssyncadd.s32 $0xFFFFFFFF  }
0xa2: {  	s24 =	simm.s32 $execute0_lowered;
	[smem:$0x3FD2] =	sst s23  }
0xa3: {  	s3 =	sshll.u32 s24, $0x1;
	_ =	strace $0x80000046;
	[dreg:$0x1] =	wrdreg $0xFFFFFFFF  }
0xa4: {  	s25 =	simm.s32 $_size_execute0_lowered;
	s1 =	sadd.s32 s1, s3;
	[dreg:$0x0] =	wrdreg $0x0  }
0xa5: {  	s3 =	sshll.u32 s25, $0x1;
	[dreg:$0x2] =	wrdreg s1  }
0xa6: {  	[dreg:$0x3] =	wrdreg s3  }
0xa7: {  	[dreg:$0x4] =	wrdreg $0xC0  }
0xa8: {  	_ =	task [dreg:s5], $0x5FFFF  }
0xa9: {  	[dreg:$0x1] =	wrdreg $0xFFFFFFFF  }
0xaa: {  	[dreg:$0x0] =	wrdreg $0x60  }
0xab: {  	[dreg:$0x2] =	wrdreg s22  }
0xac: {  	[dreg:$0x3] =	wrdreg s0  }
0xad: {  	[dreg:$0x4] =	wrdreg $0x9  }
0xae: {  	_ =	task.clear_ibuf [dreg:s5], $0x5FFFF;
	_ =	strace $0x90000046  }
0xaf: {  	s26 =	simm.s32 $0x9;
	_ =	strace $0x80000048  }
0xb0: {  	_ =	swait.ge [sflag:s26], $0x1  }
0xb1: {  	[sflag:s26] =	ssyncadd.s32 $0xFFFFFFFF  }
0xb2: {  	_ =	strace $0x90000048  }
0xb3: {  	_ =	sfence  }
0xb4: {  	s28 =	sld [smem:$0x0];
	_ =	sdelay $0x1  }
0xb5: {  	s29 =	srdreg.scid  }
0xb6: {  	s30 =	sshll.u32 s29, $0xD;
	s31 =	sshrl.u32 s29, $0x2  }
0xb7: {  	s2 =	sand.u32 $0x4000, s30;
	s1 =	sand.u32 $0x1, s29;
	s0 =	sadd.s32 s31, s28  }
0xb8: {  	s1 =	sor.u32 s2, s1;
	s0 =	sshll.u32 s0, $0x11  }
0xb9: {  	s0 =	sor.u32 s0, s1  }
0xba: {  	s0 =	sadd.s32 $0x8F2B, s0  }
0xbb: {  	[sflag:s0] =	ssyncadd.remote.s32 $0x1  }
0xbc: {  	_ =	sfence.sel $0xFFFF  }
0xbd: {  	[dreg:$0x0] =	wrdreg $0xFFFFFFFF;
	(pc) =	sbr.abs _section_cstart, $3  }
0xbe: {  	[dreg:$0x1] =	wrdreg $0xFFFFFFFF  }
0xbf: {  	_ =	task.clear_ibuf [dreg:s5], $0x2FFFF;
	_ =	strace $0x9FFFFFFF  }
0xc0: {  	(tm) =	ssettm $0x7FFFFFFF  }
0xc1: {  	_ =	shalt  }
tec
execute0_lowered:
.L_overlay_start_1:
0x0: {  	(tag) =	ssettag $0x1  }
0x1: {  	s2 =	rddreg [dreg:$0x0]  }
0x2: {  	s3 =	rddreg [dreg:$0x1]  }
0x3: {  	s0 =	rddreg [dreg:$0x2];
	_ =	strace $0x80000047;
	s4 =	stileid.u32  }
0x4: {  	s5 =	simm.s32 $0x3E;
	s1 =	sadd.s32 $0x200, s2;
	p0 =	sne.s32 s4, $0x0  }
0x5: {  	[sflag:s5] =	ssyncpa.u1 $0x0;
	s6 =	simm.s32 @!p0 $0x1C3E;
	s7 =	simm.s32 @!p0 $0x0  }
0x6: {  	[spmem:s7], [sflag:s6] =	dma.local @!p0 [hbm:s1], $0x10  }
0x7: {  	s6 =	simm.s32 @!p0 $0x3E  }
0x8: {  	_ =	swait.ge @!p0 [sflag:s6], $0x10  }
0x9: {  	[sflag:s6] =	ssyncset.done @!p0 $0x0  }
0xa: {  	[sflag:s6] =	ssyncadd.s32 @!p0 $0xFFFFFFF0  }
0xb: {  	s21 =	simm.s32 $0x1;
	s22 =	simm.s32 $0x2;
	[bflag:$0x0] =	sbarrier.arrive $0xFFFF  }
0xc: {  	s8 =	simm.s32 $0x0;
	s9 =	simm.s32 $0x48;
	[sflag:s5] =	ssyncpa.u1 $0x1  }
0xd: {  	s2 =	sadd.s32 $0x400, s2;
	s4 =	sshll.u32 s4, $0x3;
	[sflag:s21] =	ssyncpa.u1 $0x0  }
0xe: {  	s3 =	sadd.s32 s3, s4;
	(ifvalue) =	ssetifvalue $0x80;
	[sflag:s22] =	ssyncpa.u1 $0x0  }
0xf: {  	[tilespmem:s9], [sflag:$0x2] =	stream.linear.gather [hbm4b:s3+s8], $0x40, $0x38;
	[tilespmem:$0x108] =	vst v63  }
0x10: {  	s23 =	simm.s32 $0xC8;
	s2 =	sadd.s32 s2, s4  }
0x11: {  	[tilespmem:s23], [sflag:$0x2] =	stream.linear.gather [hbm4b:s2+s8], $0x40, $0x38;
	[tilespmem:$0x108] =	vst v63  }
0x12: {  	_ =	swait.ge [sflag:s22], $0x80  }
0x13: {  	[sflag:s22] =	ssyncset.done $0x0  }
0x14: {  	[sflag:s22] =	ssyncadd.s32 $0xFFFFFF80  }
0x15: {  	v0 =	vld.msk [tilespmem:s9+$0x0 ss:$0x1], $0xffff;
	_ =	sdelay $0x4  }
0x16: {  	v0 =	vmin.u32 v0, $0x80;
	_ =	sdelay $0x3  }
0x17: {  	vm0 =	vmmov $0xffff;
	s24 =	simm.s32 $0x58  }
0x18: {  	[spmem:s8] =	stream.indirect_vreg.scatter.add.s32 [tilespmem:s23], [sflag:$0x1], $0x1, v0, vm0, $0x4038;
	[tilespmem:$0x108] =	vst v63  }
0x19: {  	v0 =	vld.msk [tilespmem:s24+$0x0 ss:$0x1], $0xffff;
	_ =	sdelay $0x4  }
0x1a: {  	v0 =	vmin.u32 v0, $0x80;
	_ =	sdelay $0x3  }
0x1b: {  	s25 =	simm.s32 $0xD8;
	s26 =	simm.s32 $0x68  }
0x1c: {  	[spmem:s8] =	stream.indirect_vreg.scatter.add.s32 [tilespmem:s25], [sflag:$0x1], $0x1, v0, vm0, $0x4038;
	[tilespmem:$0x108] =	vst v63  }
0x1d: {  	v0 =	vld.msk [tilespmem:s26+$0x0 ss:$0x1], $0xffff;
	_ =	sdelay $0x4  }
0x1e: {  	v0 =	vmin.u32 v0, $0x80;
	_ =	sdelay $0x3  }
0x1f: {  	s28 =	simm.s32 $0xE8;
	s29 =	simm.s32 $0x78  }
0x20: {  	[spmem:s8] =	stream.indirect_vreg.scatter.add.s32 [tilespmem:s28], [sflag:$0x1], $0x1, v0, vm0, $0x4038;
	[tilespmem:$0x108] =	vst v63  }
0x21: {  	v0 =	vld.msk [tilespmem:s29+$0x0 ss:$0x1], $0xffff;
	_ =	sdelay $0x4  }
0x22: {  	v0 =	vmin.u32 v0, $0x80;
	_ =	sdelay $0x3  }
0x23: {  	s30 =	simm.s32 $0xF8  }
0x24: {  	[spmem:s8] =	stream.indirect_vreg.scatter.add.s32 [tilespmem:s30], [sflag:$0x1], $0x1, v0, vm0, $0x4038;
	[tilespmem:$0x108] =	vst v63  }
0x25: {  	_ =	swait.ge [sflag:s21], $0x40  }
0x26: {  	[sflag:s21] =	ssyncset.done $0x0  }
0x27: {  	[sflag:s21] =	ssyncadd.s32 $0xFFFFFFC0  }
0x28: {  	_ =	sfence.sel $0x180000  }
0x29: {  	[bflag:$0x0] =	sbarrier.arrive $0xFFFF  }
0x2a: {  	[sflag:s22] =	ssyncpa.u1 $0x1  }
0x2b: {  	[sflag:s21] =	ssyncpa.u1 $0x1  }
0x2c: {  	_ =	sfence.stream.spmem  }
0x2d: {  	s31 =	simm.s32 $0x3D;
	[bflag:$0x0] =	sbarrier.arrive $0xFFFF  }
0x2e: {  	s2 =	simm.s32 @p0 $0x3D;
	[sflag:s31] =	ssyncpa.u1 $0x0  }
0x2f: {  	[sflag:s2] =	ssyncpa.u1 @p0 $0x1  }
0x30: {  	[bflag:$0x0] =	sbarrier.arrive @p0 $0xFFFF  }
0x31: {  	_ =	strace @p0 $0x90000047  }
0x32: {  	s2 =	simm.s32 @!p0 $0x1C3D;
	[bflag:$0x2] =	sbarrier.arrive @p0 $0xFFFF  }
0x33: {  	[hbm:s1], [sflag:s2] =	dma.local @!p0 [spmem:s7], $0x10  }
0x34: {  	s1 =	simm.s32 @!p0 $0x3D  }
0x35: {  	_ =	swait.ge @!p0 [sflag:s1], $0x10  }
0x36: {  	[sflag:s1] =	ssyncset.done @!p0 $0x0  }
0x37: {  	[sflag:s1] =	ssyncadd.s32 @!p0 $0xFFFFFFF0  }
0x38: {  	[sflag:s1] =	ssyncpa.u1 @!p0 $0x1  }
0x39: {  	[bflag:$0x0] =	sbarrier.arrive @!p0 $0xFFFF  }
0x3a: {  	_ =	strace @!p0 $0x90000047  }
0x3b: {  	s0 =	sadd.s32 @!p0 $0x100000, s0;
	[bflag:$0x2] =	sbarrier.arrive @!p0 $0xFFFF  }
0x3c: {  	[sflag:s0] =	ssyncadd.tile.s32 @!p0 $0x1;
	_ =	shalt  }
.Lfunc_end2:
_tile_overlayer_lowered:
.L_overlay_start_2:
0x3d: {  	(tag) =	ssettag $0x2  }
0x3e: {  	s0 =	rddreg [dreg:$0x0];
	s2 =	stileid.u32  }
0x3f: {  	s1 =	rddreg [dreg:$0x1];
	p0 =	sne.s32 s2, $0x0  }
0x40: {  	s3 =	rddreg [dreg:$0x2];
	[bflag:$0x3] =	sbarrier.arrive $0xFFFF;
	s2 =	simm.s32 @!p0 $0x1C01  }
0x41: {  	[timem:s3], [sflag:s2] =	dma.local @!p0 [hbm:s0], s1  }
0x42: {  	s0 =	simm.s32 @!p0 $0x1  }
0x43: {  	_ =	swait.ge @!p0 [sflag:s0], s1  }
0x44: {  	s1 =	ssub.s32 @!p0 $0x0, s1;
	[sflag:s0] =	ssyncset.done @!p0 $0x0  }
0x45: {  	[sflag:s0] =	ssyncadd.s32 @!p0 s1  }
0x46: {  	[bflag:$0x3] =	sbarrier.arrive $0xFFFF  }
0x47: {  	_ =	shalt  }

</sc_bundles>
